<compile_context>
chip_gen: v7x
topology: tpu7x:2x2x1
jax: 0.10.2.dev20260603
libtpu: 0.0.44.dev20260713+nightly
codegen_flags: <defaults>
</compile_context>

<pallas_src>
import functools

import jax
import jax.numpy as jnp
import numpy as np
from jax import lax
from jax.experimental import pallas as pl
from jax.experimental.pallas import tpu as pltpu
from jax.experimental.pallas import tpu_sc as plsc

_HIDDEN = 256
_RELATIONS = 500
_BINS = 512
_BATCH = 32
_E = 160000
_NC, _NS, _L = 1, 16, 16
_NW = _NC * _NS
_CHUNK = _E // _NW
_ITERS = _CHUNK // _L

def _threefry2x32(k1, k2, x1, x2):
    def rot(x, d):
        return lax.shift_left(x, jnp.uint32(d)) | lax.shift_right_logical(
            x, jnp.uint32(32 - d)
        )

    def rounds(v0, v1, rots):
        for r in rots:
            v0 = v0 + v1
            v1 = v0 ^ rot(v1, r)
        return v0, v1

    ra = (13, 15, 26, 6)
    rb = (17, 29, 16, 24)
    ks0, ks1 = jnp.uint32(k1), jnp.uint32(k2)
    ks2 = ks0 ^ ks1 ^ jnp.uint32(0x1BD11BDA)
    x1 = x1 + ks0
    x2 = x2 + ks1
    x1, x2 = rounds(x1, x2, ra)
    x1, x2 = x1 + ks1, x2 + ks2 + jnp.uint32(1)
    x1, x2 = rounds(x1, x2, rb)
    x1, x2 = x1 + ks2, x2 + ks0 + jnp.uint32(2)
    x1, x2 = rounds(x1, x2, ra)
    x1, x2 = x1 + ks0, x2 + ks1 + jnp.uint32(3)
    x1, x2 = rounds(x1, x2, rb)
    x1, x2 = x1 + ks1, x2 + ks2 + jnp.uint32(4)
    x1, x2 = rounds(x1, x2, ra)
    x1, x2 = x1 + ks2, x2 + ks0 + jnp.uint32(5)
    return x1, x2


def _rel500():
    n = _RELATIONS * _HIDDEN
    c_lo = lax.iota(jnp.uint32, n)
    c_hi = jnp.zeros((n,), jnp.uint32)
    b1_, b2_ = _threefry2x32(0, 42, c_hi, c_lo)
    bits = b1_ ^ b2_
    float_bits = lax.shift_right_logical(bits, jnp.uint32(9)) | jnp.uint32(
        0x3F800000
    )
    f = lax.bitcast_convert_type(float_bits, jnp.float32) - jnp.float32(1.0)
    lo = jnp.float32(np.nextafter(np.float32(-1.0), np.float32(0.0)))
    hi = jnp.float32(1.0)
    u = lax.max(lo, f * (hi - lo) + lo)
    rel = jnp.float32(np.sqrt(2).astype(np.float32)) * lax.erf_inv(u) * 0.1
    rel = rel.reshape(_RELATIONS, _HIDDEN)
    return jnp.concatenate(
        [rel, jnp.zeros((_BINS - _RELATIONS, _HIDDEN), jnp.float32)]
    )


def _hist_body(et_hbm, out_hbm, idx_v, acc_v):
    wid = lax.axis_index("s") * _NC + lax.axis_index("c")
    pltpu.sync_copy(et_hbm.at[pl.ds(wid * _CHUNK, _CHUNK)], idx_v)

    zeros16 = jnp.zeros((_L,), jnp.float32)

    def zinit(i, carry):
        acc_v[pl.ds(i * _L, _L)] = zeros16
        return carry

    lax.fori_loop(0, _BINS // _L, zinit, 0)

    ones16 = jnp.ones((_L,), jnp.float32)

    def body(i, carry):
        idx = idx_v[pl.ds(i * _L, _L)]
        plsc.addupdate_scatter(acc_v, [idx], ones16)
        return carry

    lax.fori_loop(0, _ITERS, body, 0)
    pltpu.sync_copy(acc_v, out_hbm.at[wid])


@functools.cache
def _make_hist():
    return functools.partial(
        pl.kernel,
        out_type=jax.ShapeDtypeStruct((_NW, _BINS), jnp.float32),
        mesh=plsc.VectorSubcoreMesh(
            core_axis_name="c", subcore_axis_name="s",
            num_cores=_NC, num_subcores=_NS,
        ),
        scratch_types=[
            pltpu.VMEM((_CHUNK,), jnp.int32),
            pltpu.VMEM((_BINS,), jnp.float32),
        ],
        compiler_params=pltpu.CompilerParams(needs_layout_passes=False),
    )(_hist_body)


_RB = 50
_FB = 8


def _fill_body(b2_ref, lnw_ref, lnb_ref, out_ref):
    b2 = b2_ref[...]
    mu0 = jnp.mean(b2, axis=1, keepdims=True)
    var0 = jnp.mean((b2 - mu0) ** 2, axis=1, keepdims=True)
    z = (b2 - mu0) * lax.rsqrt(var0 + 1e-5) * lnw_ref[...] + lnb_ref[...]
    out_ref[...] = jnp.broadcast_to(z[None], (_RB, _BATCH, _HIDDEN))


_fill = pl.pallas_call(
    _fill_body,
    grid=(_RELATIONS // _RB,),
    in_specs=[
        pl.BlockSpec((1, _HIDDEN), lambda b: (0, 0)),
        pl.BlockSpec((1, _HIDDEN), lambda b: (0, 0)),
        pl.BlockSpec((1, _HIDDEN), lambda b: (0, 0)),
    ],
    out_specs=pl.BlockSpec((_RB, _BATCH, _HIDDEN), lambda b: (b, 0, 0)),
    out_shape=jax.ShapeDtypeStruct((_RELATIONS, _BATCH, _HIDDEN), jnp.float32),
)


def _finish_body(full_ref, counts_ref, x_ref, q_ref, w1_ref, b1_ref, w2_ref,
                 b2_ref, lnw_ref, lnb_ref, out_ref):
    del full_ref
    q = q_ref[0]
    x = x_ref[...]
    rid = lax.broadcasted_iota(jnp.int32, (_BINS, _HIDDEN), 0)
    x = jnp.where(rid == q, 1.0, x)
    w1c = w1_ref[:, :_HIDDEN] + w1_ref[:, _HIDDEN:]
    h = lax.dot_general(x, w1c, (((1,), (1,)), ((), ())),
                        preferred_element_type=jnp.float32)
    h = jnp.maximum(h + b1_ref[...], 0.0)
    y = lax.dot_general(h, w2_ref[...], (((1,), (1,)), ((), ())),
                        preferred_element_type=jnp.float32)
    ones_nw = jnp.ones((_NW, 1), jnp.float32)
    ccol = lax.dot_general(counts_ref[...], ones_nw, (((0,), (0,)), ((), ())),
                           preferred_element_type=jnp.float32)
    o = ccol * y + b2_ref[...]
    mu = jnp.mean(o, axis=1, keepdims=True)
    var = jnp.mean((o - mu) ** 2, axis=1, keepdims=True)
    r = (o - mu) * lax.rsqrt(var + 1e-5) * lnw_ref[...] + lnb_ref[...]
    b2 = b2_ref[...]
    mu0 = jnp.mean(b2, axis=1, keepdims=True)
    var0 = jnp.mean((b2 - mu0) ** 2, axis=1, keepdims=True)
    z = (b2 - mu0) * lax.rsqrt(var0 + 1e-5) * lnw_ref[...] + lnb_ref[...]
    bidx = lax.broadcasted_iota(jnp.int32, (_RELATIONS, _FB, _HIDDEN), 1)
    out_ref[...] = jnp.where(
        bidx == 0,
        jnp.broadcast_to(r[:_RELATIONS, None, :], (_RELATIONS, _FB, _HIDDEN)),
        jnp.broadcast_to(z[None], (_RELATIONS, _FB, _HIDDEN)),
    )


_finish = pl.pallas_call(
    _finish_body,
    grid=(1,),
    in_specs=[
        pl.BlockSpec(memory_space=pl.ANY),
        pl.BlockSpec((_NW, _BINS), lambda b: (0, 0)),
        pl.BlockSpec((_BINS, _HIDDEN), lambda b: (0, 0)),
        pl.BlockSpec(memory_space=pltpu.SMEM),
        pl.BlockSpec((_HIDDEN, 2 * _HIDDEN), lambda b: (0, 0)),
        pl.BlockSpec((1, _HIDDEN), lambda b: (0, 0)),
        pl.BlockSpec((_HIDDEN, _HIDDEN), lambda b: (0, 0)),
        pl.BlockSpec((1, _HIDDEN), lambda b: (0, 0)),
        pl.BlockSpec((1, _HIDDEN), lambda b: (0, 0)),
        pl.BlockSpec((1, _HIDDEN), lambda b: (0, 0)),
    ],
    out_specs=pl.BlockSpec((_RELATIONS, _FB, _HIDDEN), lambda b: (0, 0, 0)),
    out_shape=jax.ShapeDtypeStruct((_RELATIONS, _BATCH, _HIDDEN), jnp.float32),
    input_output_aliases={0: 0},
)


def kernel(edge_index, edge_type, num_relations, query_relations, batch_size,
           W1, b1, W2, b2, ln_w, ln_b):
    counts = _make_hist()(edge_type.astype(jnp.int32))
    b2r = b2.reshape(1, _HIDDEN)
    lnwr = ln_w.reshape(1, _HIDDEN)
    lnbr = ln_b.reshape(1, _HIDDEN)
    full = _fill(b2r, lnwr, lnbr)
    out_rm = _finish(
        full, counts, _rel500(), query_relations.astype(jnp.int32), W1,
        b1.reshape(1, _HIDDEN), W2, b2r, lnwr, lnbr,
    )
    return jnp.transpose(out_rm, (1, 0, 2))

# --- scband reference (transcript-rebuilt; emitter-appended) ---
"""Pipeline reference for scband-simple-prompt-encoder-59708635349478 (READ-ONLY COPY).

The authoritative reference and input builder live on the scoring server;
editing this copy changes nothing except your own understanding.
"""

import jax, jax.numpy as jnp
import numpy as np

HIDDEN = 256

def setup_inputs(seed: int = 0) -> dict:
    key = jax.random.key(seed)
    k1, k2, k3, k4, k5, k6, k7 = jax.random.split(key, 7)
    E = 160000
    num_relations = 500
    batch_size = 32
    edge_index = jax.random.randint(k1, (2, E), 0, 10000, dtype=jnp.int64) if jax.config.jax_enable_x64 else jax.random.randint(k1, (2, E), 0, 10000, dtype=jnp.int32)
    edge_type = jax.random.randint(k2, (E,), 0, num_relations, dtype=jnp.int32)
    query_relations = jax.random.randint(k3, (batch_size,), 0, num_relations, dtype=jnp.int32)
    # learned params (torch Linear convention: y = x @ W.T + b)
    W1 = jax.random.normal(k4, (HIDDEN, 2 * HIDDEN), dtype=jnp.float32) * (1.0 / np.sqrt(2 * HIDDEN))
    b1 = jnp.zeros((HIDDEN,), dtype=jnp.float32)
    W2 = jax.random.normal(k5, (HIDDEN, HIDDEN), dtype=jnp.float32) * (1.0 / np.sqrt(HIDDEN))
    b2 = jnp.zeros((HIDDEN,), dtype=jnp.float32)
    ln_w = jnp.ones((HIDDEN,), dtype=jnp.float32)
    ln_b = jnp.zeros((HIDDEN,), dtype=jnp.float32)
    return {"edge_index": edge_index, "edge_type": edge_type, "num_relations": num_relations,
            "query_relations": query_relations, "batch_size": batch_size,
            "W1": W1, "b1": b1, "W2": W2, "b2": b2, "ln_w": ln_w, "ln_b": ln_b}


def reference(edge_index, edge_type, num_relations, query_relations, batch_size, W1, b1, W2, b2, ln_w, ln_b):
    hidden = W2.shape[0]
    batch_static = query_relations.shape[0]
    relations_static = 500
    total_relations = relations_static * batch_static
    # torch.randn(...) * 0.1 inside forward -> deterministic jax equivalent
    rel = jax.random.normal(jax.random.key(42), (total_relations, hidden), dtype=jnp.float32) * 0.1
    rows = jnp.arange(batch_static, dtype=jnp.int32)
    rows = jnp.where(rows < batch_size, rows, 0)
    q_idx = query_relations.astype(jnp.int32) + rows * jnp.asarray(num_relations, dtype=jnp.int32)
    rel = rel.at[q_idx].set(1.0)
    head = jnp.take(rel, edge_type, axis=0)
    tail = jnp.take(rel, edge_type, axis=0)
    msg = jnp.concatenate([head, tail], axis=-1)
    msg = jax.nn.relu(msg @ W1.T + b1)  # dropout is identity in eval
    new_emb = jnp.zeros((total_relations, hidden), dtype=jnp.float32).at[edge_type].add(msg)
    out = new_emb @ W2.T + b2
    mu = jnp.mean(out, axis=-1, keepdims=True)
    var = jnp.mean((out - mu) ** 2, axis=-1, keepdims=True)
    out = (out - mu) / jnp.sqrt(var + 1e-5) * ln_w + ln_b
    return out.reshape(batch_static, relations_static, hidden)

if __name__ == "__main__":
    import jax
    _d = setup_inputs()
    print(jax.jit(kernel)(*tuple(_d.values())))

</pallas_src>

<mosaic_0001>
#map = affine_map<(d0, d1) -> (0)>
#map1 = affine_map<(d0, d1) -> (0, 0)>
module attributes {stable_mosaic.version = 14 : i64} {
  func.func @_hist_body(%arg0: i32, %arg1: i32, %arg2: memref<160000xi32, #tpu.memory_space<hbm>>, %arg3: memref<16x512xf32, #tpu.memory_space<hbm>>, %arg4: memref<10000xi32, #tpu.memory_space<vmem>>, %arg5: memref<512xf32, #tpu.memory_space<vmem>>) attributes {dimension_semantics = [#tpu.dimension_semantics<core_parallel>, #tpu.dimension_semantics<subcore_parallel>], iteration_bounds = array<i64: 1, 16>, scalar_prefetch = 0 : i64, scratch_operands = 2 : i64, tpu.core_type = #tpu.core_type<sc_vector_subcore>, window_params = [{transform_indices = #map}, {transform_indices = #map1}]} {
    %mul3A = arith.constant 1 : i32
    %mul3A_0 = arith.muli %arg1, %mul3A : i32
    %add3A = arith.addi %mul3A_0, %arg0 : i32
    %mul3A_1 = arith.constant 10000 : i32
    %mul3A_2 = arith.muli %add3A, %mul3A_1 : i32
    "tpu.region"() ({
      %run_scoped3A = tpu.sem_alloc : memref<!tpu.dma_semaphore, #tpu.memory_space<semaphore_mem>>
      %dma_start3A = tpu.memref_slice %arg2[%mul3A_2] : memref<160000xi32, #tpu.memory_space<hbm>> -> memref<10000xi32, #tpu.memory_space<hbm>>
      %dma_start3A_17 = tpu.memref_slice %arg2[%mul3A_2] : memref<160000xi32, #tpu.memory_space<hbm>> -> memref<10000xi32, #tpu.memory_space<hbm>>
      tpu.enqueue_dma source(%dma_start3A_17 : memref<10000xi32, #tpu.memory_space<hbm>>) target(%arg4 : memref<10000xi32, #tpu.memory_space<vmem>>) target_semaphore(%run_scoped3A : memref<!tpu.dma_semaphore, #tpu.memory_space<semaphore_mem>>)
      %dma_wait3A = tpu.memref_slice %arg2[%mul3A_2] : memref<160000xi32, #tpu.memory_space<hbm>> -> memref<10000xi32, #tpu.memory_space<hbm>>
      %dma_wait3A_18 = tpu.memref_slice %arg2[%mul3A_2] : memref<160000xi32, #tpu.memory_space<hbm>> -> memref<10000xi32, #tpu.memory_space<hbm>>
      tpu.wait_dma2 semaphore(%run_scoped3A : memref<!tpu.dma_semaphore, #tpu.memory_space<semaphore_mem>>) src(%dma_wait3A_18 : memref<10000xi32, #tpu.memory_space<hbm>>) dst(%arg4 : memref<10000xi32, #tpu.memory_space<vmem>>)
      tpu.yield
    }) : () -> ()
    %broadcast_in_dim3A = arith.constant 0.000000e+00 : f32
    %broadcast_in_dim3A_3 = vector.broadcast %broadcast_in_dim3A : f32 to vector<16xf32>
    %scan3A = arith.constant 0 : i32
    %scan3A_4 = arith.constant 0 : i32
    %scan3A_5 = arith.constant 32 : i32
    %scan3A_6 = arith.addi %scan3A_4, %scan3A_5 : i32
    %scan3A_7 = arith.constant 1 : i32
    scf.for %scan3A_17 = %scan3A_4 to %scan3A_6 step %scan3A_7  : i32 {
      %mul3A_18 = arith.constant 16 : i32
      %mul3A_19 = arith.muli %scan3A_17, %mul3A_18 : i32
      %swap3A = arith.index_cast %mul3A_19 : i32 to index
      %swap3A_20 = tpu.vector_load %arg5[%swap3A] {strides = array<i32>} : memref<512xf32, #tpu.memory_space<vmem>>, vector<16xf32>,
      tpu.vector_store %arg5[%swap3A], %broadcast_in_dim3A_3 {strides = array<i32>} : memref<512xf32, #tpu.memory_space<vmem>>, vector<16xf32>,
    }
    %scan3A_8 = arith.constant 32 : i32
    %broadcast_in_dim3A_9 = arith.constant 1.000000e+00 : f32
    %broadcast_in_dim3A_10 = vector.broadcast %broadcast_in_dim3A_9 : f32 to vector<16xf32>
    %scan3A_11 = arith.constant 0 : i32
    %scan3A_12 = arith.constant 0 : i32
    %scan3A_13 = arith.constant 625 : i32
    %scan3A_14 = arith.addi %scan3A_12, %scan3A_13 : i32
    %scan3A_15 = arith.constant 1 : i32
    scf.for %scan3A_17 = %scan3A_12 to %scan3A_14 step %scan3A_15  : i32 {
      %mul3A_18 = arith.constant 16 : i32
      %mul3A_19 = arith.muli %scan3A_17, %mul3A_18 : i32
      %get3A = arith.index_cast %mul3A_19 : i32 to index
      %get3A_20 = tpu.vector_load %arg4[%get3A] {strides = array<i32>} : memref<10000xi32, #tpu.memory_space<vmem>>, vector<16xi32>,
      tpu.vector_store_idx %arg5[%get3A_20], %broadcast_in_dim3A_10 {add = true} : memref<512xf32, #tpu.memory_space<vmem>>[vector<16xi32>], vector<16xf32>,
    }
    %scan3A_16 = arith.constant 625 : i32
    "tpu.region"() ({
      %run_scoped3A = tpu.sem_alloc : memref<!tpu.dma_semaphore, #tpu.memory_space<semaphore_mem>>
      %dma_start3A = arith.constant 0 : i32
      %dma_start3A_17 = tpu.memref_slice %arg3[%add3A, %dma_start3A] : memref<16x512xf32, #tpu.memory_space<hbm>> -> memref<1x512xf32, #tpu.memory_space<hbm>>
      %dma_start3A_18 = tpu.memref_squeeze %dma_start3A_17 : memref<1x512xf32, #tpu.memory_space<hbm>> -> memref<512xf32, #tpu.memory_space<hbm>>
      %dma_start3A_19 = arith.constant 0 : i32
      %dma_start3A_20 = tpu.memref_slice %arg3[%add3A, %dma_start3A_19] : memref<16x512xf32, #tpu.memory_space<hbm>> -> memref<1x512xf32, #tpu.memory_space<hbm>>
      %dma_start3A_21 = tpu.memref_squeeze %dma_start3A_20 : memref<1x512xf32, #tpu.memory_space<hbm>> -> memref<512xf32, #tpu.memory_space<hbm>>
      tpu.enqueue_dma source(%arg5 : memref<512xf32, #tpu.memory_space<vmem>>) target(%dma_start3A_21 : memref<512xf32, #tpu.memory_space<hbm>>) target_semaphore(%run_scoped3A : memref<!tpu.dma_semaphore, #tpu.memory_space<semaphore_mem>>)
      %dma_wait3A = arith.constant 0 : i32
      %dma_wait3A_22 = tpu.memref_slice %arg3[%add3A, %dma_wait3A] : memref<16x512xf32, #tpu.memory_space<hbm>> -> memref<1x512xf32, #tpu.memory_space<hbm>>
      %dma_wait3A_23 = tpu.memref_squeeze %dma_wait3A_22 : memref<1x512xf32, #tpu.memory_space<hbm>> -> memref<512xf32, #tpu.memory_space<hbm>>
      %dma_wait3A_24 = arith.constant 0 : i32
      %dma_wait3A_25 = tpu.memref_slice %arg3[%add3A, %dma_wait3A_24] : memref<16x512xf32, #tpu.memory_space<hbm>> -> memref<1x512xf32, #tpu.memory_space<hbm>>
      %dma_wait3A_26 = tpu.memref_squeeze %dma_wait3A_25 : memref<1x512xf32, #tpu.memory_space<hbm>> -> memref<512xf32, #tpu.memory_space<hbm>>
      tpu.wait_dma2 semaphore(%run_scoped3A : memref<!tpu.dma_semaphore, #tpu.memory_space<semaphore_mem>>) src(%arg5 : memref<512xf32, #tpu.memory_space<vmem>>) dst(%dma_wait3A_26 : memref<512xf32, #tpu.memory_space<hbm>>)
      tpu.yield
    }) : () -> ()
    return
  }
}

module attributes {stable_mosaic.version = 14 : i64} {
  func.func @_fill_body(%arg0: i32, %arg1: memref<1x256xf32, #tpu.memory_space<vmem>>, %arg2: memref<1x256xf32, #tpu.memory_space<vmem>>, %arg3: memref<1x256xf32, #tpu.memory_space<vmem>>, %arg4: memref<50x32x256xf32, #tpu.memory_space<vmem>>) attributes {dimension_semantics = [#tpu.dimension_semantics<arbitrary>], iteration_bounds = array<i64: 10>, scalar_prefetch = 0 : i64, scratch_operands = 0 : i64, tpu.core_type = #tpu.core_type<tc>, window_params = [{pipeline_mode = #tpu.pipeline_mode<synchronous>, transform_indices = @transform_0, window_bounds = array<i64: 1, 256>}, {pipeline_mode = #tpu.pipeline_mode<synchronous>, transform_indices = @transform_1, window_bounds = array<i64: 1, 256>}, {pipeline_mode = #tpu.pipeline_mode<synchronous>, transform_indices = @transform_2, window_bounds = array<i64: 1, 256>}, {transform_indices = @transform_3, window_bounds = array<i64: 50, 32, 256>}]} {
    %get3A = arith.constant 0 : index
    %get3A_0 = arith.constant 0 : index
    %get3A_1 = vector.load %arg1[%get3A, %get3A_0] : memref<1x256xf32, #tpu.memory_space<vmem>>, vector<1x256xf32>
    %reduce_sum3A = arith.constant dense<0.000000e+00> : vector<1xf32>
    %reduce_sum3A_2 = vector.multi_reduction <add>, %get3A_1, %reduce_sum3A [1] : vector<1x256xf32> to vector<1xf32>
    %broadcast_in_dim3A = vector.shape_cast %reduce_sum3A_2 : vector<1xf32> to vector<1x1xf32>
    %div3A = arith.constant 2.560000e+02 : f32
    %div3A_3 = vector.broadcast %div3A : f32 to vector<1x1xf32>
    %div3A_4 = arith.divf %broadcast_in_dim3A, %div3A_3 : vector<1x1xf32>
    %sub3A = vector.broadcast %div3A_4 : vector<1x1xf32> to vector<1x256xf32>
    %sub3A_5 = arith.subf %get3A_1, %sub3A : vector<1x256xf32>
    %integer_pow3A = arith.mulf %sub3A_5, %sub3A_5 : vector<1x256xf32>
    %reduce_sum3A_6 = arith.constant dense<0.000000e+00> : vector<1xf32>
    %reduce_sum3A_7 = vector.multi_reduction <add>, %integer_pow3A, %reduce_sum3A_6 [1] : vector<1x256xf32> to vector<1xf32>
    %broadcast_in_dim3A_8 = vector.shape_cast %reduce_sum3A_7 : vector<1xf32> to vector<1x1xf32>
    %div3A_9 = arith.constant 2.560000e+02 : f32
    %div3A_10 = vector.broadcast %div3A_9 : f32 to vector<1x1xf32>
    %div3A_11 = arith.divf %broadcast_in_dim3A_8, %div3A_10 : vector<1x1xf32>
    %sub3A_12 = vector.broadcast %div3A_4 : vector<1x1xf32> to vector<1x256xf32>
    %sub3A_13 = arith.subf %get3A_1, %sub3A_12 : vector<1x256xf32>
    %add3A = arith.constant 9.99999974E-6 : f32
    %add3A_14 = vector.broadcast %add3A : f32 to vector<1x1xf32>
    %add3A_15 = arith.addf %div3A_11, %add3A_14 : vector<1x1xf32>
    %rsqrt3A = math.rsqrt %add3A_15 : vector<1x1xf32>
    %mul3A = vector.broadcast %rsqrt3A : vector<1x1xf32> to vector<1x256xf32>
    %mul3A_16 = arith.mulf %sub3A_13, %mul3A : vector<1x256xf32>
    %get3A_17 = arith.constant 0 : index
    %get3A_18 = arith.constant 0 : index
    %get3A_19 = vector.load %arg2[%get3A_17, %get3A_18] : memref<1x256xf32, #tpu.memory_space<vmem>>, vector<1x256xf32>
    %mul3A_20 = arith.mulf %mul3A_16, %get3A_19 : vector<1x256xf32>
    %get3A_21 = arith.constant 0 : index
    %get3A_22 = arith.constant 0 : index
    %get3A_23 = vector.load %arg3[%get3A_21, %get3A_22] : memref<1x256xf32, #tpu.memory_space<vmem>>, vector<1x256xf32>
    %add3A_24 = arith.addf %mul3A_20, %get3A_23 : vector<1x256xf32>
    %broadcast_in_dim3A_25 = vector.shape_cast %add3A_24 : vector<1x256xf32> to vector<1x1x256xf32>
    %broadcast_in_dim3A_26 = vector.shape_cast %broadcast_in_dim3A_25 : vector<1x1x256xf32> to vector<1x1x256xf32>
    %broadcast_in_dim3A_27 = vector.broadcast %broadcast_in_dim3A_26 : vector<1x1x256xf32> to vector<50x32x256xf32>
    %swap3A = arith.constant 0 : index
    %swap3A_28 = arith.constant 0 : index
    %swap3A_29 = arith.constant 0 : index
    %swap3A_30 = vector.load %arg4[%swap3A, %swap3A_28, %swap3A_29] : memref<50x32x256xf32, #tpu.memory_space<vmem>>, vector<50x32x256xf32>
    tpu.vector_store %arg4[%swap3A, %swap3A_28, %swap3A_29], %broadcast_in_dim3A_27 {strides = array<i32>} : memref<50x32x256xf32, #tpu.memory_space<vmem>>, vector<50x32x256xf32>,
    return
  }
  func.func @transform_0(%arg0: i32) -> (i32, i32) {
    %c0_i32 = arith.constant 0 : i32
    %c0_i32_0 = arith.constant 0 : i32
    %c0_i32_1 = arith.constant 0 : i32
    return %c0_i32, %c0_i32_0 : i32, i32
  }
  func.func @transform_1(%arg0: i32) -> (i32, i32) {
    %c0_i32 = arith.constant 0 : i32
    %c0_i32_0 = arith.constant 0 : i32
    %c0_i32_1 = arith.constant 0 : i32
    return %c0_i32, %c0_i32_0 : i32, i32
  }
  func.func @transform_2(%arg0: i32) -> (i32, i32) {
    %c0_i32 = arith.constant 0 : i32
    %c0_i32_0 = arith.constant 0 : i32
    %c0_i32_1 = arith.constant 0 : i32
    return %c0_i32, %c0_i32_0 : i32, i32
  }
  func.func @transform_3(%arg0: i32) -> (i32, i32, i32) {
    %c0_i32 = arith.constant 0 : i32
    %c0_i32_0 = arith.constant 0 : i32
    %c0_i32_1 = arith.constant 0 : i32
    return %arg0, %c0_i32, %c0_i32_0 : i32, i32, i32
  }
}

module attributes {stable_mosaic.version = 14 : i64} {
  func.func @_finish_body(%arg0: i32, %arg1: memref<500x32x256xf32, #tpu.memory_space<any>>, %arg2: memref<16x512xf32, #tpu.memory_space<vmem>>, %arg3: memref<512x256xf32, #tpu.memory_space<vmem>>, %arg4: memref<32xi32, #tpu.memory_space<smem>>, %arg5: memref<256x512xf32, #tpu.memory_space<vmem>>, %arg6: memref<1x256xf32, #tpu.memory_space<vmem>>, %arg7: memref<256x256xf32, #tpu.memory_space<vmem>>, %arg8: memref<1x256xf32, #tpu.memory_space<vmem>>, %arg9: memref<1x256xf32, #tpu.memory_space<vmem>>, %arg10: memref<1x256xf32, #tpu.memory_space<vmem>>, %arg11: memref<500x8x256xf32, #tpu.memory_space<vmem>>) attributes {dimension_semantics = [#tpu.dimension_semantics<arbitrary>], iteration_bounds = array<i64: 1>, scalar_prefetch = 0 : i64, scratch_operands = 0 : i64, tpu.core_type = #tpu.core_type<tc>, window_params = [{}, {pipeline_mode = #tpu.pipeline_mode<synchronous>, transform_indices = @transform_1, window_bounds = array<i64: 16, 512>}, {pipeline_mode = #tpu.pipeline_mode<synchronous>, transform_indices = @transform_2, window_bounds = array<i64: 512, 256>}, {transform_indices = @transform_3, window_bounds = array<i64: 32>}, {pipeline_mode = #tpu.pipeline_mode<synchronous>, transform_indices = @transform_4, window_bounds = array<i64: 256, 512>}, {pipeline_mode = #tpu.pipeline_mode<synchronous>, transform_indices = @transform_5, window_bounds = array<i64: 1, 256>}, {pipeline_mode = #tpu.pipeline_mode<synchronous>, transform_indices = @transform_6, window_bounds = array<i64: 256, 256>}, {pipeline_mode = #tpu.pipeline_mode<synchronous>, transform_indices = @transform_7, window_bounds = array<i64: 1, 256>}, {pipeline_mode = #tpu.pipeline_mode<synchronous>, transform_indices = @transform_8, window_bounds = array<i64: 1, 256>}, {pipeline_mode = #tpu.pipeline_mode<synchronous>, transform_indices = @transform_9, window_bounds = array<i64: 1, 256>}, {transform_indices = @transform_10, window_bounds = array<i64: 500, 8, 256>}]} {
    %get3A = arith.constant 0 : index
    %get3A_0 = memref.load %arg4[%get3A] : memref<32xi32, #tpu.memory_space<smem>>
    %get3A_1 = arith.constant 0 : index
    %get3A_2 = arith.constant 0 : index
    %get3A_3 = vector.load %arg3[%get3A_1, %get3A_2] : memref<512x256xf32, #tpu.memory_space<vmem>>, vector<512x256xf32>
    %iota3A = tpu.iota {dimensions = array<i32: 0>} : vector<512x256xi32>
    %eq3A = vector.broadcast %get3A_0 : i32 to vector<512x256xi32>
    %eq3A_4 = arith.cmpi eq, %iota3A, %eq3A : vector<512x256xi32>
    %jit3A = arith.constant 1.000000e+00 : f32
    %broadcast_in_dim3A = vector.broadcast %jit3A : f32 to vector<512x256xf32>
    %select_n3A = arith.select %eq3A_4, %broadcast_in_dim3A, %get3A_3 : vector<512x256xi1>, vector<512x256xf32>
    %get3A_5 = arith.constant 0 : index
    %get3A_6 = arith.constant 0 : index
    %get3A_7 = vector.load %arg5[%get3A_5, %get3A_6] : memref<256x512xf32, #tpu.memory_space<vmem>>, vector<256x256xf32>
    %get3A_8 = arith.constant 0 : index
    %get3A_9 = arith.constant 256 : index
    %get3A_10 = vector.load %arg5[%get3A_8, %get3A_9] : memref<256x512xf32, #tpu.memory_space<vmem>>, vector<256x256xf32>
    %add3A = arith.addf %get3A_7, %get3A_10 : vector<256x256xf32>
    %dot_general3A = arith.constant dense<0.000000e+00> : vector<512x256xf32>
    %dot_general3A_11 = tpu.matmul %select_n3A, %add3A, %dot_general3A {dimension_numbers = #tpu.dot_dimension_numbers<[1], [1], [0], [0], [0, 0, 1, 0], [], []>, transpose_lhs_hint = false} : vector<512x256xf32>, vector<256x256xf32>, vector<512x256xf32> -> vector<512x256xf32>
    %get3A_12 = arith.constant 0 : index
    %get3A_13 = arith.constant 0 : index
    %get3A_14 = vector.load %arg6[%get3A_12, %get3A_13] : memref<1x256xf32, #tpu.memory_space<vmem>>, vector<1x256xf32>
    %add3A_15 = vector.broadcast %get3A_14 : vector<1x256xf32> to vector<512x256xf32>
    %add3A_16 = arith.addf %dot_general3A_11, %add3A_15 : vector<512x256xf32>
    %max3A = arith.constant 0.000000e+00 : f32
    %max3A_17 = vector.broadcast %max3A : f32 to vector<512x256xf32>
    %max3A_18 = arith.maximumf %add3A_16, %max3A_17 : vector<512x256xf32>
    %get3A_19 = arith.constant 0 : index
    %get3A_20 = arith.constant 0 : index
    %get3A_21 = vector.load %arg7[%get3A_19, %get3A_20] : memref<256x256xf32, #tpu.memory_space<vmem>>, vector<256x256xf32>
    %dot_general3A_22 = arith.constant dense<0.000000e+00> : vector<512x256xf32>
    %dot_general3A_23 = tpu.matmul %max3A_18, %get3A_21, %dot_general3A_22 {dimension_numbers = #tpu.dot_dimension_numbers<[1], [1], [0], [0], [0, 0, 1, 0], [], []>, transpose_lhs_hint = false} : vector<512x256xf32>, vector<256x256xf32>, vector<512x256xf32> -> vector<512x256xf32>
    %broadcast_in_dim3A_24 = arith.constant 1.000000e+00 : f32
    %broadcast_in_dim3A_25 = vector.broadcast %broadcast_in_dim3A_24 : f32 to vector<16x1xf32>
    %get3A_26 = arith.constant 0 : index
    %get3A_27 = arith.constant 0 : index
    %get3A_28 = vector.load %arg2[%get3A_26, %get3A_27] : memref<16x512xf32, #tpu.memory_space<vmem>>, vector<16x512xf32>
    %dot_general3A_29 = arith.constant dense<0.000000e+00> : vector<512x1xf32>
    %dot_general3A_30 = tpu.matmul %get3A_28, %broadcast_in_dim3A_25, %dot_general3A_29 {dimension_numbers = #tpu.dot_dimension_numbers<[0], [0], [1], [1], [0, 1, 1, 1], [], []>, transpose_lhs_hint = false} : vector<16x512xf32>, vector<16x1xf32>, vector<512x1xf32> -> vector<512x1xf32>
    %mul3A = vector.broadcast %dot_general3A_30 : vector<512x1xf32> to vector<512x256xf32>
    %mul3A_31 = arith.mulf %mul3A, %dot_general3A_23 : vector<512x256xf32>
    %get3A_32 = arith.constant 0 : index
    %get3A_33 = arith.constant 0 : index
    %get3A_34 = vector.load %arg8[%get3A_32, %get3A_33] : memref<1x256xf32, #tpu.memory_space<vmem>>, vector<1x256xf32>
    %add3A_35 = vector.broadcast %get3A_34 : vector<1x256xf32> to vector<512x256xf32>
    %add3A_36 = arith.addf %mul3A_31, %add3A_35 : vector<512x256xf32>
    %reduce_sum3A = arith.constant dense<0.000000e+00> : vector<512xf32>
    %reduce_sum3A_37 = vector.multi_reduction <add>, %add3A_36, %reduce_sum3A [1] : vector<512x256xf32> to vector<512xf32>
    %broadcast_in_dim3A_38 = vector.shape_cast %reduce_sum3A_37 : vector<512xf32> to vector<512x1xf32>
    %div3A = arith.constant 2.560000e+02 : f32
    %div3A_39 = vector.broadcast %div3A : f32 to vector<512x1xf32>
    %div3A_40 = arith.divf %broadcast_in_dim3A_38, %div3A_39 : vector<512x1xf32>
    %sub3A = vector.broadcast %div3A_40 : vector<512x1xf32> to vector<512x256xf32>
    %sub3A_41 = arith.subf %add3A_36, %sub3A : vector<512x256xf32>
    %integer_pow3A = arith.mulf %sub3A_41, %sub3A_41 : vector<512x256xf32>
    %reduce_sum3A_42 = arith.constant dense<0.000000e+00> : vector<512xf32>
    %reduce_sum3A_43 = vector.multi_reduction <add>, %integer_pow3A, %reduce_sum3A_42 [1] : vector<512x256xf32> to vector<512xf32>
    %broadcast_in_dim3A_44 = vector.shape_cast %reduce_sum3A_43 : vector<512xf32> to vector<512x1xf32>
    %div3A_45 = arith.constant 2.560000e+02 : f32
    %div3A_46 = vector.broadcast %div3A_45 : f32 to vector<512x1xf32>
    %div3A_47 = arith.divf %broadcast_in_dim3A_44, %div3A_46 : vector<512x1xf32>
    %sub3A_48 = vector.broadcast %div3A_40 : vector<512x1xf32> to vector<512x256xf32>
    %sub3A_49 = arith.subf %add3A_36, %sub3A_48 : vector<512x256xf32>
    %add3A_50 = arith.constant 9.99999974E-6 : f32
    %add3A_51 = vector.broadcast %add3A_50 : f32 to vector<512x1xf32>
    %add3A_52 = arith.addf %div3A_47, %add3A_51 : vector<512x1xf32>
    %rsqrt3A = math.rsqrt %add3A_52 : vector<512x1xf32>
    %mul3A_53 = vector.broadcast %rsqrt3A : vector<512x1xf32> to vector<512x256xf32>
    %mul3A_54 = arith.mulf %sub3A_49, %mul3A_53 : vector<512x256xf32>
    %get3A_55 = arith.constant 0 : index
    %get3A_56 = arith.constant 0 : index
    %get3A_57 = vector.load %arg9[%get3A_55, %get3A_56] : memref<1x256xf32, #tpu.memory_space<vmem>>, vector<1x256xf32>
    %mul3A_58 = vector.broadcast %get3A_57 : vector<1x256xf32> to vector<512x256xf32>
    %mul3A_59 = arith.mulf %mul3A_54, %mul3A_58 : vector<512x256xf32>
    %get3A_60 = arith.constant 0 : index
    %get3A_61 = arith.constant 0 : index
    %get3A_62 = vector.load %arg10[%get3A_60, %get3A_61] : memref<1x256xf32, #tpu.memory_space<vmem>>, vector<1x256xf32>
    %add3A_63 = vector.broadcast %get3A_62 : vector<1x256xf32> to vector<512x256xf32>
    %add3A_64 = arith.addf %mul3A_59, %add3A_63 : vector<512x256xf32>
    %get3A_65 = arith.constant 0 : index
    %get3A_66 = arith.constant 0 : index
    %get3A_67 = vector.load %arg8[%get3A_65, %get3A_66] : memref<1x256xf32, #tpu.memory_space<vmem>>, vector<1x256xf32>
    %reduce_sum3A_68 = arith.constant dense<0.000000e+00> : vector<1xf32>
    %reduce_sum3A_69 = vector.multi_reduction <add>, %get3A_67, %reduce_sum3A_68 [1] : vector<1x256xf32> to vector<1xf32>
    %broadcast_in_dim3A_70 = vector.shape_cast %reduce_sum3A_69 : vector<1xf32> to vector<1x1xf32>
    %div3A_71 = arith.constant 2.560000e+02 : f32
    %div3A_72 = vector.broadcast %div3A_71 : f32 to vector<1x1xf32>
    %div3A_73 = arith.divf %broadcast_in_dim3A_70, %div3A_72 : vector<1x1xf32>
    %sub3A_74 = vector.broadcast %div3A_73 : vector<1x1xf32> to vector<1x256xf32>
    %sub3A_75 = arith.subf %get3A_67, %sub3A_74 : vector<1x256xf32>
    %integer_pow3A_76 = arith.mulf %sub3A_75, %sub3A_75 : vector<1x256xf32>
    %reduce_sum3A_77 = arith.constant dense<0.000000e+00> : vector<1xf32>
    %reduce_sum3A_78 = vector.multi_reduction <add>, %integer_pow3A_76, %reduce_sum3A_77 [1] : vector<1x256xf32> to vector<1xf32>
    %broadcast_in_dim3A_79 = vector.shape_cast %reduce_sum3A_78 : vector<1xf32> to vector<1x1xf32>
    %div3A_80 = arith.constant 2.560000e+02 : f32
    %div3A_81 = vector.broadcast %div3A_80 : f32 to vector<1x1xf32>
    %div3A_82 = arith.divf %broadcast_in_dim3A_79, %div3A_81 : vector<1x1xf32>
    %sub3A_83 = vector.broadcast %div3A_73 : vector<1x1xf32> to vector<1x256xf32>
    %sub3A_84 = arith.subf %get3A_67, %sub3A_83 : vector<1x256xf32>
    %add3A_85 = arith.constant 9.99999974E-6 : f32
    %add3A_86 = vector.broadcast %add3A_85 : f32 to vector<1x1xf32>
    %add3A_87 = arith.addf %div3A_82, %add3A_86 : vector<1x1xf32>
    %rsqrt3A_88 = math.rsqrt %add3A_87 : vector<1x1xf32>
    %mul3A_89 = vector.broadcast %rsqrt3A_88 : vector<1x1xf32> to vector<1x256xf32>
    %mul3A_90 = arith.mulf %sub3A_84, %mul3A_89 : vector<1x256xf32>
    %get3A_91 = arith.constant 0 : index
    %get3A_92 = arith.constant 0 : index
    %get3A_93 = vector.load %arg9[%get3A_91, %get3A_92] : memref<1x256xf32, #tpu.memory_space<vmem>>, vector<1x256xf32>
    %mul3A_94 = arith.mulf %mul3A_90, %get3A_93 : vector<1x256xf32>
    %get3A_95 = arith.constant 0 : index
    %get3A_96 = arith.constant 0 : index
    %get3A_97 = vector.load %arg10[%get3A_95, %get3A_96] : memref<1x256xf32, #tpu.memory_space<vmem>>, vector<1x256xf32>
    %add3A_98 = arith.addf %mul3A_94, %get3A_97 : vector<1x256xf32>
    %iota3A_99 = tpu.iota {dimensions = array<i32: 1>} : vector<500x8x256xi32>
    %eq3A_100 = arith.constant 0 : i32
    %eq3A_101 = vector.broadcast %eq3A_100 : i32 to vector<500x8x256xi32>
    %eq3A_102 = arith.cmpi eq, %iota3A_99, %eq3A_101 : vector<500x8x256xi32>
    %slice3A = vector.extract_strided_slice %add3A_64 {offsets = [0, 0], sizes = [500, 256], strides = [1, 1]} : vector<512x256xf32> to vector<500x256xf32>
    %broadcast_in_dim3A_103 = vector.shape_cast %slice3A : vector<500x256xf32> to vector<500x1x256xf32>
    %broadcast_in_dim3A_104 = vector.shape_cast %broadcast_in_dim3A_103 : vector<500x1x256xf32> to vector<500x1x256xf32>
    %broadcast_in_dim3A_105 = vector.broadcast %broadcast_in_dim3A_104 : vector<500x1x256xf32> to vector<500x8x256xf32>
    %broadcast_in_dim3A_106 = vector.shape_cast %add3A_98 : vector<1x256xf32> to vector<1x1x256xf32>
    %broadcast_in_dim3A_107 = vector.shape_cast %broadcast_in_dim3A_106 : vector<1x1x256xf32> to vector<1x1x256xf32>
    %broadcast_in_dim3A_108 = vector.broadcast %broadcast_in_dim3A_107 : vector<1x1x256xf32> to vector<500x8x256xf32>
    %select_n3A_109 = arith.select %eq3A_102, %broadcast_in_dim3A_105, %broadcast_in_dim3A_108 : vector<500x8x256xi1>, vector<500x8x256xf32>
    %swap3A = arith.constant 0 : index
    %swap3A_110 = arith.constant 0 : index
    %swap3A_111 = arith.constant 0 : index
    %swap3A_112 = vector.load %arg11[%swap3A, %swap3A_110, %swap3A_111] : memref<500x8x256xf32, #tpu.memory_space<vmem>>, vector<500x8x256xf32>
    tpu.vector_store %arg11[%swap3A, %swap3A_110, %swap3A_111], %select_n3A_109 {strides = array<i32>} : memref<500x8x256xf32, #tpu.memory_space<vmem>>, vector<500x8x256xf32>,
    return
  }
  func.func @transform_1(%arg0: i32) -> (i32, i32) {
    %c0_i32 = arith.constant 0 : i32
    %c0_i32_0 = arith.constant 0 : i32
    %c0_i32_1 = arith.constant 0 : i32
    return %c0_i32, %c0_i32_0 : i32, i32
  }
  func.func @transform_2(%arg0: i32) -> (i32, i32) {
    %c0_i32 = arith.constant 0 : i32
    %c0_i32_0 = arith.constant 0 : i32
    %c0_i32_1 = arith.constant 0 : i32
    return %c0_i32, %c0_i32_0 : i32, i32
  }
  func.func @transform_3(%arg0: i32) -> i32 {
    %c0_i32 = arith.constant 0 : i32
    %c0_i32_0 = arith.constant 0 : i32
    return %c0_i32 : i32
  }
  func.func @transform_4(%arg0: i32) -> (i32, i32) {
    %c0_i32 = arith.constant 0 : i32
    %c0_i32_0 = arith.constant 0 : i32
    %c0_i32_1 = arith.constant 0 : i32
    return %c0_i32, %c0_i32_0 : i32, i32
  }
  func.func @transform_5(%arg0: i32) -> (i32, i32) {
    %c0_i32 = arith.constant 0 : i32
    %c0_i32_0 = arith.constant 0 : i32
    %c0_i32_1 = arith.constant 0 : i32
    return %c0_i32, %c0_i32_0 : i32, i32
  }
  func.func @transform_6(%arg0: i32) -> (i32, i32) {
    %c0_i32 = arith.constant 0 : i32
    %c0_i32_0 = arith.constant 0 : i32
    %c0_i32_1 = arith.constant 0 : i32
    return %c0_i32, %c0_i32_0 : i32, i32
  }
  func.func @transform_7(%arg0: i32) -> (i32, i32) {
    %c0_i32 = arith.constant 0 : i32
    %c0_i32_0 = arith.constant 0 : i32
    %c0_i32_1 = arith.constant 0 : i32
    return %c0_i32, %c0_i32_0 : i32, i32
  }
  func.func @transform_8(%arg0: i32) -> (i32, i32) {
    %c0_i32 = arith.constant 0 : i32
    %c0_i32_0 = arith.constant 0 : i32
    %c0_i32_1 = arith.constant 0 : i32
    return %c0_i32, %c0_i32_0 : i32, i32
  }
  func.func @transform_9(%arg0: i32) -> (i32, i32) {
    %c0_i32 = arith.constant 0 : i32
    %c0_i32_0 = arith.constant 0 : i32
    %c0_i32_1 = arith.constant 0 : i32
    return %c0_i32, %c0_i32_0 : i32, i32
  }
  func.func @transform_10(%arg0: i32) -> (i32, i32, i32) {
    %c0_i32 = arith.constant 0 : i32
    %c0_i32_0 = arith.constant 0 : i32
    %c0_i32_1 = arith.constant 0 : i32
    %c0_i32_2 = arith.constant 0 : i32
    return %c0_i32, %c0_i32_0, %c0_i32_1 : i32, i32, i32
  }
}

</mosaic_0001>

<sc_bundles>
// kernel: kernel.5.cloned.1.call-start
scs
__scs_entry_jumppad:
0x0: {  	(pc) =	sbr.rel $0x88, $3  }
0x1: {  	(tag) =	ssettag $0x0;
	lr =	simm.s32 $0x1  }
0x2: {  	[smem:$0x3F99] =	sst lr;
	_ =	strace $0xD0000000  }
0x3: {  	_ = 	snop  }
0x4: {  	_ = 	snop  }
0x5: {  	_ = 	snop  }
0x6: {  	_ = 	snop  }
0x7: {  	_ = 	snop  }
__scs_overlays_trampoline_lowered:
0x8: {  	[smem:$0x3FA8] =	sst s0  }
0x9: {  	[smem:$0x3FA9] =	sst s1  }
0xa: {  	[smem:$0x3FAA] =	sst s2  }
0xb: {  	[smem:$0x3FAB] =	sst s3  }
0xc: {  	[smem:$0x3FAC] =	sst s4  }
0xd: {  	[smem:$0x3FAD] =	sst s5  }
0xe: {  	[smem:$0x3FAE] =	sst s6  }
0xf: {  	[smem:$0x3FAF] =	sst s7  }
0x10: {  	[smem:$0x3FB0] =	sst s8  }
0x11: {  	[smem:$0x3FB1] =	sst s9;
	s0 =	simm.s32 @!p0 $0x0  }
0x12: {  	s1 =	sld [smem:$0x3F97];
	s0 =	simm.s32 @p0 $0x1  }
0x13: {  	[smem:$0x3FB2] =	sst s0;
	s0 =	simm.s32 @!p1 $0x0  }
0x14: {  	s2 =	sld [smem:$0x3F96];
	s0 =	simm.s32 @p1 $0x1  }
0x15: {  	[smem:$0x3FB3] =	sst s0;
	s0 =	simm.s32 @!p2 $0x0  }
0x16: {  	s3 =	sld [smem:$0x3FDB];
	s0 =	simm.s32 @p2 $0x1  }
0x17: {  	s4 =	simm.s32 $0x1BF5;
	[smem:$0x3FB5] =	sst s0  }
0x18: {  	s0 =	sld [smem:$0x3F98];
	_ =	swait.ge [sflag:s4], $0x0  }
0x19: {  	s7 =	sld [smem:$0x3F99]  }
0x1a: {  	s8 =	sadd.s32 $0xFFFFE003, lr  }
0x1b: {  	s9 =	sadd.s32 $0xFFFFFEF7, lr;
	s5 =	simm.s32 $0xFFFFFFFF;
	p2 =	slt.u32 s8, $0xFFFFF086  }
0x1c: {  	p1 =	slt.u32 s9, $0xF7A;
	s5 =	simm.s32 @!p2 $0x0  }
0x1d: {  	s5 =	simm.s32 @p1 $0x1;
	p0 =	seq.s32 s7, s2  }
0x1e: {  	s7 =	smul.u32 @!p0 $0xF7A, s2;
	p2 =	seq.s32 @!p0 s5, $0x0  }
0x1f: {  	s9 =	smul.u32 $0xF7A, s1;
	s8 =	simm.s32 @!p0 $0x1BF5;
	p2 =	por !p2, p0  }
0x20: {  	[sflag:s8] =	ssyncset.s32 @!p0 $0xFFFFF086;
	s6 =	sadd.s32 @!p0 s3, s7;
	s7 =	simm.s32 @!p0 $0x108  }
0x21: {  	s3 =	sadd.s32 s3, s9;
	s6 =	sadd.s32 @!p0 $0x88, s6;
	s7 =	simm.s32 @p2 $0x1082  }
0x22: {  	[simem:s7], [sflag:s8] =	dma.local @!p0 [hbm:s6], $0xF7A  }
0x23: {  	s9 =	sor.u32 $0xD0000000, s2;
	s6 =	simm.s32 $0x108;
	_ =	swait.ge @!p0 [sflag:s8], $0x0  }
0x24: {  	s3 =	sadd.s32 $0x88, s3;
	s6 =	simm.s32 @!p1 $0x1082;
	[sflag:s4] =	ssyncset.s32 $0xFFFFF086  }
0x25: {  	[simem:s6], [sflag:s4] =	dma.local [hbm:s3], $0xF7A  }
0x26: {  	[smem:$0x3F99] =	sst s1;
	(tag) =	ssettag s2;
	_ =	strace s9  }
0x27: {  	s1 =	sld [smem:$0x3FA9]  }
0x28: {  	s2 =	sld [smem:$0x3FAA]  }
0x29: {  	s4 =	sld [smem:$0x3FAC]  }
0x2a: {  	p0 =	seq.s32 s5, $0x0;
	s5 =	sld [smem:$0x3FAD]  }
0x2b: {  	s6 =	sld [smem:$0x3FAE]  }
0x2c: {  	s7 =	sld [smem:$0x3FAF]  }
0x2d: {  	s3 =	simm.s32 $0x108;
	s8 =	sld [smem:$0x3FB0]  }
0x2e: {  	s3 =	simm.s32 @!p0 $0x1082;
	s9 =	sld [smem:$0x3FB1]  }
0x2f: {  	lr =	sadd.s32 s0, s3;
	s0 =	sld [smem:$0x3FA8]  }
0x30: {  	s3 =	sld [smem:$0x3FAB]  }
0x31: {  	[smem:$0x3FB4] =	sst s10  }
0x32: {  	s10 =	sld [smem:$0x3FB2];
	_ =	sdelay $0x3  }
0x33: {  	p0 =	seq.s32 s10, $0x1;
	s10 =	sld [smem:$0x3FB4];
	_ =	sdelay $0x3  }
0x34: {  	[smem:$0x3FB4] =	sst s10  }
0x35: {  	s10 =	sld [smem:$0x3FB3];
	_ =	sdelay $0x3  }
0x36: {  	p1 =	seq.s32 s10, $0x1;
	s10 =	sld [smem:$0x3FB4];
	_ =	sdelay $0x3  }
0x37: {  	[smem:$0x3FB4] =	sst s10  }
0x38: {  	s10 =	sld [smem:$0x3FB5]  }
0x39: {  	_ = 	snop;
	(pc) =	sbr.ind lr, $3  }
0x3a: {  	_ = 	snop  }
0x3b: {  	_ = 	snop  }
0x3c: {  	p2 =	seq.s32 s10, $0x1;
	s10 =	sld [smem:$0x3FB4]  }
0x3d: {  	_ =	shalt  }
0x3e: {  	_ =	shalt  }
0x3f: {  	_ =	shalt  }
0x40: {  	_ =	shalt  }
0x41: {  	_ =	shalt  }
0x42: {  	_ =	shalt  }
0x43: {  	_ =	shalt  }
0x44: {  	_ =	shalt  }
0x45: {  	_ =	shalt  }
0x46: {  	_ =	shalt  }
0x47: {  	_ =	shalt  }
0x48: {  	_ =	shalt  }
0x49: {  	_ =	shalt  }
0x4a: {  	_ =	shalt  }
0x4b: {  	_ =	shalt  }
0x4c: {  	_ =	shalt  }
0x4d: {  	_ =	shalt  }
0x4e: {  	_ =	shalt  }
0x4f: {  	_ =	shalt  }
0x50: {  	_ =	shalt  }
0x51: {  	_ =	shalt  }
0x52: {  	_ =	shalt  }
0x53: {  	_ =	shalt  }
0x54: {  	_ =	shalt  }
0x55: {  	_ =	shalt  }
0x56: {  	_ =	shalt  }
0x57: {  	_ =	shalt  }
0x58: {  	_ =	shalt  }
0x59: {  	_ =	shalt  }
0x5a: {  	_ =	shalt  }
0x5b: {  	_ =	shalt  }
0x5c: {  	_ =	shalt  }
0x5d: {  	_ =	shalt  }
0x5e: {  	_ =	shalt  }
0x5f: {  	_ =	shalt  }
0x60: {  	_ =	shalt  }
0x61: {  	_ =	shalt  }
0x62: {  	_ =	shalt  }
0x63: {  	_ =	shalt  }
0x64: {  	_ =	shalt  }
0x65: {  	_ =	shalt  }
0x66: {  	_ =	shalt  }
0x67: {  	_ =	shalt  }
0x68: {  	_ =	shalt  }
0x69: {  	_ =	shalt  }
0x6a: {  	_ =	shalt  }
0x6b: {  	_ =	shalt  }
0x6c: {  	_ =	shalt  }
0x6d: {  	_ =	shalt  }
0x6e: {  	_ =	shalt  }
0x6f: {  	_ =	shalt  }
0x70: {  	_ =	shalt  }
0x71: {  	_ =	shalt  }
0x72: {  	_ =	shalt  }
0x73: {  	_ =	shalt  }
0x74: {  	_ =	shalt  }
0x75: {  	_ =	shalt  }
0x76: {  	_ =	shalt  }
0x77: {  	_ =	shalt  }
0x78: {  	_ =	shalt  }
0x79: {  	_ =	shalt  }
0x7a: {  	_ =	shalt  }
0x7b: {  	_ =	shalt  }
0x7c: {  	_ =	shalt  }
0x7d: {  	_ =	shalt  }
0x7e: {  	_ =	shalt  }
0x7f: {  	_ =	shalt  }
0x80: {  	_ =	shalt  }
0x81: {  	_ =	shalt  }
0x82: {  	_ =	shalt  }
0x83: {  	_ =	shalt  }
0x84: {  	_ =	shalt  }
0x85: {  	_ =	shalt  }
0x86: {  	_ =	shalt  }
0x87: {  	_ =	shalt  }
.Lfunc_end0:
.L_simem_size_0:
called_computation_lowered:
.L_overlay_start_0:
0x88: {  	s0 =	sld [smem:$0x3FD9]  }
0x89: {  	s1 =	sld [smem:$0x3FFE];
	_ =	sdelay $0x3  }
0x8a: {  	s0 =	sadd.s32 s1, s0  }
0x8b: {  	[smem:$0x3FC0] =	sst s0  }
0x8c: {  	_ = 	snop  }
0x8d: {  	s0 =	sld [smem:$0x3FC9];
	(tm) =	ssettm $0x1  }
0x8e: {  	s16 =	sld [smem:$0x3FFB];
	_ =	sdelay $0x3  }
0x8f: {  	_ =	strace s16  }
0x90: {  	s1 =	sld [smem:$0x3FFC];
	_ =	sdelay $0x3  }
0x91: {  	_ =	strace s1  }
0x92: {  	s1 =	sld [smem:$0x3FFD];
	_ =	sdelay $0x3  }
0x93: {  	_ =	strace s1  }
0x94: {  	_ =	strace $0x8FFFFFFF  }
0x95: {  	s17 =	sld [smem:$0x3FDB];
	_ =	sdelay $0x1  }
0x96: {  	s2 =	simm.s32 $_scs_section_size  }
0x97: {  	s3 =	simm.s32 $_size__tile_overlayer_lowered;
	s4 =	simm.s32 $_tile_overlayer_lowered  }
0x98: {  	s20 =	simm.s32 $0x1BFF;
	s19 =	sshll.u32 s4, $0x1;
	s1 =	sadd.s32 s2, s17  }
0x99: {  	s5 =	simm.s32 $0x0;
	s18 =	sshll.u32 s3, $0x1;
	s3 =	sadd.s32 s19, s1  }
0x9a: {  	[timem:s5], [sflag:s20] =	dma.local [hbm:s3], s18  }
0x9b: {  	_ =	swait.ge [sflag:s20], s18  }
0x9c: {  	s2 =	ssub.s32 $0x0, s18;
	[sflag:s20] =	ssyncset.done $0x0  }
0x9d: {  	[sflag:s20] =	ssyncadd.s32 s2;
	_ =	sdelay $0x1  }
0x9e: {  	s21 =	simm.s32 $0x1B8B  }
0x9f: {  	_ =	swait.ge [sflag:s21], $0x1  }
0xa0: {  	[sflag:s21] =	ssyncset.done $0x0  }
0xa1: {  	s23 =	simm.s32 $0x1B8E;
	s22 =	sld [smem:$0x3FFE];
	[sflag:s21] =	ssyncadd.s32 $0xFFFFFFFF  }
0xa2: {  	s24 =	simm.s32 $execute0_lowered;
	[smem:$0x3FD2] =	sst s23  }
0xa3: {  	s3 =	sshll.u32 s24, $0x1;
	_ =	strace $0x80000046;
	[dreg:$0x1] =	wrdreg $0xFFFFFFFF  }
0xa4: {  	s25 =	simm.s32 $_size_execute0_lowered;
	s1 =	sadd.s32 s1, s3;
	[dreg:$0x0] =	wrdreg $0x0  }
0xa5: {  	s3 =	sshll.u32 s25, $0x1;
	[dreg:$0x2] =	wrdreg s1  }
0xa6: {  	[dreg:$0x3] =	wrdreg s3  }
0xa7: {  	[dreg:$0x4] =	wrdreg $0xC0  }
0xa8: {  	_ =	task [dreg:s5], $0x5FFFF  }
0xa9: {  	[dreg:$0x1] =	wrdreg $0xFFFFFFFF  }
0xaa: {  	[dreg:$0x0] =	wrdreg $0x60  }
0xab: {  	[dreg:$0x2] =	wrdreg s0  }
0xac: {  	[dreg:$0x3] =	wrdreg s22  }
0xad: {  	[dreg:$0x4] =	wrdreg $0x9  }
0xae: {  	_ =	task.clear_ibuf [dreg:s5], $0x5FFFF;
	_ =	strace $0x90000046  }
0xaf: {  	s26 =	simm.s32 $0x9;
	_ =	strace $0x80000048  }
0xb0: {  	_ =	swait.ge [sflag:s26], $0x1  }
0xb1: {  	[sflag:s26] =	ssyncadd.s32 $0xFFFFFFFF  }
0xb2: {  	_ =	strace $0x90000048  }
0xb3: {  	_ =	sfence  }
0xb4: {  	s28 =	sld [smem:$0x0];
	_ =	sdelay $0x1  }
0xb5: {  	s29 =	srdreg.scid  }
0xb6: {  	s30 =	sshll.u32 s29, $0xD;
	s31 =	sshrl.u32 s29, $0x2  }
0xb7: {  	s2 =	sand.u32 $0x4000, s30;
	s1 =	sand.u32 $0x1, s29;
	s0 =	sadd.s32 s31, s28  }
0xb8: {  	s1 =	sor.u32 s2, s1;
	s0 =	sshll.u32 s0, $0x11  }
0xb9: {  	s0 =	sor.u32 s0, s1  }
0xba: {  	s0 =	sadd.s32 $0x8F2B, s0  }
0xbb: {  	[sflag:s0] =	ssyncadd.remote.s32 $0x1  }
0xbc: {  	_ =	sfence.sel $0xFFFF  }
0xbd: {  	[dreg:$0x0] =	wrdreg $0xFFFFFFFF;
	(pc) =	sbr.abs _section_cstart, $3  }
0xbe: {  	[dreg:$0x1] =	wrdreg $0xFFFFFFFF  }
0xbf: {  	_ =	task.clear_ibuf [dreg:s5], $0x2FFFF;
	_ =	strace $0x9FFFFFFF  }
0xc0: {  	(tm) =	ssettm $0x7FFFFFFF  }
0xc1: {  	_ =	shalt  }
tec
execute0_lowered:
.L_overlay_start_1:
0x0: {  	(tag) =	ssettag $0x1  }
0x1: {  	s2 =	rddreg [dreg:$0x0]  }
0x2: {  	s3 =	rddreg [dreg:$0x1];
	s1 =	stileid.u32  }
0x3: {  	s0 =	rddreg [dreg:$0x2];
	s4 =	simm.s32 $0x0;
	s5 =	smul.u32 $0x4E2, s1  }
0x4: {  	[smem:$0x7FF] =	sst s4  }
0x5: {  	s31 =	simm.s32 $0x1;
	_ =	strace $0x80000047;
	s2 =	sadd.s32 s2, s5  }
0x6: {  	[tilespmem:s4], [sflag:$0x1] =	stream.linear.gather [hbm4b:s2+s4], $0x2710, $0x38;
	[tilespmem:$0x2980] =	vst v63  }
0x7: {  	_ =	swait.ge [sflag:s31], $0x2710  }
0x8: {  	[sflag:s31] =	ssyncset.done $0x0  }
0x9: {  	v0 =	vimm.f32 $0.0e+00;
	[sflag:s31] =	ssyncadd.s32 $0xFFFFD8F0  }
0xa: {  	[tilespmem:$0x2780] =	vst v0  }
0xb: {  	[tilespmem:$0x2790] =	vst v0  }
0xc: {  	[tilespmem:$0x27A0] =	vst v0  }
0xd: {  	[tilespmem:$0x27B0] =	vst v0  }
0xe: {  	[tilespmem:$0x27C0] =	vst v0  }
0xf: {  	[tilespmem:$0x27D0] =	vst v0  }
0x10: {  	[tilespmem:$0x27E0] =	vst v0  }
0x11: {  	[tilespmem:$0x27F0] =	vst v0  }
0x12: {  	[tilespmem:$0x2800] =	vst v0  }
0x13: {  	[tilespmem:$0x2810] =	vst v0  }
0x14: {  	[tilespmem:$0x2820] =	vst v0  }
0x15: {  	[tilespmem:$0x2830] =	vst v0  }
0x16: {  	[tilespmem:$0x2840] =	vst v0  }
0x17: {  	[tilespmem:$0x2850] =	vst v0  }
0x18: {  	[tilespmem:$0x2860] =	vst v0  }
0x19: {  	[tilespmem:$0x2870] =	vst v0  }
0x1a: {  	[tilespmem:$0x2880] =	vst v0  }
0x1b: {  	[tilespmem:$0x2890] =	vst v0  }
0x1c: {  	[tilespmem:$0x28A0] =	vst v0  }
0x1d: {  	[tilespmem:$0x28B0] =	vst v0  }
0x1e: {  	[tilespmem:$0x28C0] =	vst v0  }
0x1f: {  	[tilespmem:$0x28D0] =	vst v0  }
0x20: {  	[tilespmem:$0x28E0] =	vst v0  }
0x21: {  	[tilespmem:$0x28F0] =	vst v0  }
0x22: {  	[tilespmem:$0x2900] =	vst v0  }
0x23: {  	[tilespmem:$0x2910] =	vst v0  }
0x24: {  	[tilespmem:$0x2920] =	vst v0  }
0x25: {  	[tilespmem:$0x2930] =	vst v0  }
0x26: {  	[tilespmem:$0x2940] =	vst v0  }
0x27: {  	[tilespmem:$0x2950] =	vst v0  }
0x28: {  	s5 =	simm.s32 $0x0;
	[tilespmem:$0x2960] =	vst v0  }
0x29: {  	s2 =	sadd.s32 $0x1800, s3;
	s3 =	simm.s32 $0x2780;
	s4 =	simm.s32 $0x40;
	[tilespmem:$0x2970] =	vst v0;
	v0 =	vimm.f32 $1.000000000e+00  }
.LBB2_1:
0x2a: {  	p0 =	sne.s32 s4, $0x9C00;
	v1 =	vld [tilespmem:s5+$0x0];
	_ =	sdelay $0x3  }
.Ltmp0:
0x2b: {  	(pc) =	sbr.rel @p0 .LBB2_1-.Ltmp0, $2  }
0x2c: {  	_ =	sdelay $0x2  }
0x2d: {  	s5 =	sshra.s32 s4, $0x2;
	s4 =	sadd.s32 $0x40, s4;
	[tilespmem:v1+s3+$0x0] =	vst.idx.add.f32.msk $0xffff, v0  }
0x2e: {  	v1 =	vld [tilespmem:s5+$0x0];
	_ =	sdelay $0x4  }
0x2f: {  	s4 =	sshll.u32 s1, $0x4  }
0x30: {  	s26 =	sshll.u32 s1, $0x6;
	s28 =	simm.s32 $0x80;
	s4 =	sand.u32 $0x70, s4  }
0x31: {  	s29 =	simm.s32 $0x400;
	s5 =	sand.u32 $0x200, s26;
	s2 =	sadd.s32 s2, s4  }
0x32: {  	s30 =	simm.s32 $0x2780;
	s31 =	simm.s32 $0x1;
	s2 =	sadd.s32 s5, s2;
	[tilespmem:v1+s3+$0x0] =	vst.idx.add.f32.msk $0xffff, v0  }
0x33: {  	[hbm4b:s2+s28] =	stream.strided.scatter [tilespmem:s30], [sflag:$0x1], $0x200, s29, s28, $0x38;
	[tilespmem:$0x2980] =	vst v63  }
0x34: {  	_ =	swait.ge [sflag:s31], $0x200  }
0x35: {  	[sflag:s31] =	ssyncset.done $0x0  }
0x36: {  	[sflag:s31] =	ssyncadd.s32 $0xFFFFFE00  }
0x37: {  	_ =	sfence.sel $0x180000  }
0x38: {  	[bflag:$0x0] =	sbarrier.arrive $0xFFFF  }
0x39: {  	p0 =	sne.s32 s1, $0x0;
	_ =	strace $0x90000047  }
0x3a: {  	s0 =	sadd.s32 @!p0 $0x100000, s0;
	[bflag:$0x2] =	sbarrier.arrive $0xFFFF  }
0x3b: {  	[sflag:s0] =	ssyncadd.tile.s32 @!p0 $0x1;
	_ =	shalt  }
.Lfunc_end2:
_tile_overlayer_lowered:
.L_overlay_start_2:
0x3c: {  	(tag) =	ssettag $0x2  }
0x3d: {  	s0 =	rddreg [dreg:$0x0];
	s2 =	stileid.u32  }
0x3e: {  	s1 =	rddreg [dreg:$0x1];
	p0 =	sne.s32 s2, $0x0  }
0x3f: {  	s3 =	rddreg [dreg:$0x2];
	[bflag:$0x3] =	sbarrier.arrive $0xFFFF;
	s2 =	simm.s32 @!p0 $0x1C01  }
0x40: {  	[timem:s3], [sflag:s2] =	dma.local @!p0 [hbm:s0], s1  }
0x41: {  	s0 =	simm.s32 @!p0 $0x1  }
0x42: {  	_ =	swait.ge @!p0 [sflag:s0], s1  }
0x43: {  	s1 =	ssub.s32 @!p0 $0x0, s1;
	[sflag:s0] =	ssyncset.done @!p0 $0x0  }
0x44: {  	[sflag:s0] =	ssyncadd.s32 @!p0 s1  }
0x45: {  	[bflag:$0x3] =	sbarrier.arrive $0xFFFF  }
0x46: {  	_ =	shalt  }

</sc_bundles>
